<compile_context>
chip_gen: v7x
topology: tpu7x:2x2x1
jax: 0.10.2.dev20260603
libtpu: 0.0.44.dev20260713+nightly
codegen_flags: <defaults>
</compile_context>

<pallas_src>
import functools

import jax
import jax.numpy as jnp
from jax import lax
from jax.experimental import pallas as pl
from jax.experimental.pallas import tpu as pltpu
from jax.experimental.pallas import tpu_sc as plsc

_NC = 2
_NS = 16
_NW = _NC * _NS
_CHUNK = 104
_RING = 8
_G = 4
_W = _RING - _G
_H = 524288
_RC = 13312
_RCK = 16384


def _repack_t(xt):
    d, v = xt.shape
    nb = _H // _RCK

    def body(l_ref, r_ref, o_ref):
        o_ref[:, :d] = l_ref[...].T
        o_ref[:, d:] = r_ref[...].T

    last = (v - 1) // _RCK

    return pl.pallas_call(
        body,
        grid=(nb,),
        in_specs=[
            pl.BlockSpec((d, _RCK), lambda i: (0, i)),
            pl.BlockSpec(
                (d, _RCK),
                lambda i, nb=nb, last=last: (0, jnp.minimum(i + nb, last)),
            ),
        ],
        out_specs=pl.BlockSpec((_RCK, 2 * d), lambda i: (i, 0)),
        out_shape=jax.ShapeDtypeStruct((_H, 2 * d), jnp.float32),
    )(xt, xt)


def _select_seg(out128_s, parity3_s, prev, blk_off, n_total):
    n, d2 = out128_s.shape
    d = d2 // 2
    nb = n // _RC

    def body(v_ref, p_ref, *rest):
        o_ref = rest[-1]
        vt = v_ref[...].T
        p = p_ref[0] != 0
        o_ref[...] = jnp.where(p, vt[d:, :], vt[:d, :])

    in_specs = [
        pl.BlockSpec((_RC, d2), lambda i: (i, 0)),
        pl.BlockSpec((1, 1, _RC), lambda i: (i, 0, 0)),
    ]
    args = [out128_s, parity3_s]
    aliases = {}
    if prev is not None:
        in_specs.append(pl.BlockSpec(memory_space=pl.ANY))
        args.append(prev)
        aliases = {2: 0}

    return pl.pallas_call(
        body,
        grid=(nb,),
        in_specs=in_specs,
        out_specs=pl.BlockSpec((d, _RC), lambda i, o=blk_off: (0, i + o)),
        out_shape=jax.ShapeDtypeStruct((d, n_total), jnp.float32),
        input_output_aliases=aliases,
    )(*args)


@functools.partial(jax.jit, static_argnums=(2, 3))
def _gather_call(y, idx3, n_chunks, d2):
    b_per_w = n_chunks * _CHUNK
    mesh = plsc.VectorSubcoreMesh(core_axis_name="c", subcore_axis_name="s")

    @functools.partial(
        pl.kernel,
        mesh=mesh,
        out_type=jax.ShapeDtypeStruct((_NW * b_per_w, d2), jnp.float32),
        scratch_types=[
            pltpu.VMEM((n_chunks, _CHUNK), jnp.int32),
            pltpu.VMEM((_RING, _CHUNK, d2), jnp.float32),
            pltpu.SemaphoreType.DMA,
            pltpu.SemaphoreType.DMA,
        ],
        compiler_params=pltpu.CompilerParams(use_tc_tiling_on_sc=False),
    )
    def body(table_hbm, idx_hbm, out_hbm, idx_v, rows_v, gsem, wsem):
        wid = lax.axis_index("s") * _NC + lax.axis_index("c")
        base = wid * b_per_w
        pltpu.sync_copy(idx_hbm.at[wid], idx_v)

        def fire(c):
            pltpu.async_copy(
                table_hbm.at[idx_v.at[c]], rows_v.at[c % _RING], gsem
            )

        def out_chunk(c):
            return out_hbm.at[pl.ds(base + c * _CHUNK, _CHUNK)]

        def wait_gather(c):
            pltpu.make_async_copy(
                table_hbm.at[idx_v.at[c]], rows_v.at[c % _RING], gsem
            ).wait()

        def wait_write(c):
            pltpu.make_async_copy(rows_v.at[c % _RING], out_chunk(c), wsem).wait()

        for c in range(_G):
            fire(c)

        def step(j, carry):
            wait_gather(j)
            pltpu.async_copy(rows_v.at[j % _RING], out_chunk(j), wsem)

            @pl.when(j >= _W)
            def _():
                wait_write(j - _W)

            fire(j + _G)
            return carry

        lax.fori_loop(0, n_chunks - _G, step, 0)

        def tail(j, carry):
            wait_gather(j)
            pltpu.async_copy(rows_v.at[j % _RING], out_chunk(j), wsem)
            return carry

        lax.fori_loop(n_chunks - _G, n_chunks, tail, 0)

        def drain(j, carry):
            wait_write(j)
            return carry

        lax.fori_loop(max(n_chunks - _G - _W, 0), n_chunks, drain, 0)

    return body(y, idx3)


_NSEG = 4


def kernel(x, dim, index):
    v, d = x.shape
    b = index.shape[0]
    idx = index.astype(jnp.int32) + jnp.asarray(dim, jnp.int32)

    y = _repack_t(x.T)

    grain = _NSEG * _NW * _CHUNK
    b_pad = ((b + grain - 1) // grain) * grain
    if b_pad != b:
        idx = jnp.pad(idx, (0, b_pad - b))
    bs = b_pad // _NSEG
    n_chunks = bs // (_NW * _CHUNK)
    idxm = idx & (_H - 1)
    parity = (idx >= _H).astype(jnp.int32)

    out128s = []
    for s in range(_NSEG):
        idx3 = idxm[s * bs:(s + 1) * bs].reshape(_NW, n_chunks, _CHUNK)
        out128s.append(_gather_call(y, idx3, n_chunks, 2 * d))

    outt = None
    for s in range(_NSEG):
        parity3 = parity[s * bs:(s + 1) * bs].reshape(bs // _RC, 1, _RC)
        outt = _select_seg(out128s[s], parity3, outt, s * (bs // _RC), b_pad)

    out = outt.T
    if b_pad != b:
        out = out[:b]
    return out

# --- scband reference (transcript-rebuilt; emitter-appended) ---
"""Pipeline reference for scband-torch-ops-aten-index-select-module-53987738911078 (READ-ONLY COPY).

The authoritative reference and input builder live on the scoring server;
editing this copy changes nothing except your own understanding.
"""

import jax, jax.numpy as jnp
import numpy as np


def setup_inputs(seed: int = 0) -> dict:
    key = jax.random.key(seed)
    kx, ki = jax.random.split(key)
    x = jax.random.normal(kx, (1000000, 64), dtype=jnp.float32)
    dim = 0
    index = jax.random.randint(ki, (425984,), 0, 1000000, dtype=jnp.int64)
    return {"x": x, "dim": dim, "index": index}


def reference(x, dim, index):
    # torch.ops.aten.index_select(x, dim, index)
    idx = index + jnp.asarray(dim, dtype=index.dtype)
    return jnp.take(x, idx, axis=0)

if __name__ == "__main__":
    import jax
    _d = setup_inputs()
    print(jax.jit(kernel)(*tuple(_d.values())))

</pallas_src>

<mosaic_0001>
#map = affine_map<(d0, d1) -> (0, 0)>
#map1 = affine_map<(d0, d1) -> (0, 0, 0)>
module attributes {stable_mosaic.version = 14 : i64} {
  func.func @body(%arg0: i32, %arg1: i32, %arg2: memref<524288x128xf32, #tpu.memory_space<hbm>>, %arg3: memref<32x32x104xi32, #tpu.memory_space<hbm>>, %arg4: memref<106496x128xf32, #tpu.memory_space<hbm>>, %arg5: memref<32x104xi32, #tpu.memory_space<vmem>>, %arg6: memref<8x104x128xf32, #tpu.memory_space<vmem>>, %arg7: memref<!tpu.dma_semaphore, #tpu.memory_space<semaphore_mem>>, %arg8: memref<!tpu.dma_semaphore, #tpu.memory_space<semaphore_mem>>) attributes {dimension_semantics = [#tpu.dimension_semantics<core_parallel>, #tpu.dimension_semantics<subcore_parallel>], iteration_bounds = array<i64: 2, 16>, scalar_prefetch = 0 : i64, scratch_operands = 4 : i64, tpu.core_type = #tpu.core_type<sc_vector_subcore>, window_params = [{transform_indices = #map}, {transform_indices = #map1}, {transform_indices = #map}]} {
    %mul3A = arith.constant 2 : i32
    %mul3A_0 = arith.muli %arg1, %mul3A : i32
    %add3A = arith.addi %mul3A_0, %arg0 : i32
    %mul3A_1 = arith.constant 3328 : i32
    %mul3A_2 = arith.muli %add3A, %mul3A_1 : i32
    "tpu.region"() ({
      %run_scoped3A = tpu.sem_alloc : memref<!tpu.dma_semaphore, #tpu.memory_space<semaphore_mem>>
      %dma_start3A_67 = arith.constant 0 : i32
      %dma_start3A_68 = arith.constant 0 : i32
      %dma_start3A_69 = tpu.memref_slice %arg3[%add3A, %dma_start3A_67, %dma_start3A_68] : memref<32x32x104xi32, #tpu.memory_space<hbm>> -> memref<1x32x104xi32, #tpu.memory_space<hbm>>
      %dma_start3A_70 = tpu.memref_squeeze %dma_start3A_69 : memref<1x32x104xi32, #tpu.memory_space<hbm>> -> memref<32x104xi32, #tpu.memory_space<hbm>>
      %dma_start3A_71 = arith.constant 0 : i32
      %dma_start3A_72 = arith.constant 0 : i32
      %dma_start3A_73 = tpu.memref_slice %arg3[%add3A, %dma_start3A_71, %dma_start3A_72] : memref<32x32x104xi32, #tpu.memory_space<hbm>> -> memref<1x32x104xi32, #tpu.memory_space<hbm>>
      %dma_start3A_74 = tpu.memref_squeeze %dma_start3A_73 : memref<1x32x104xi32, #tpu.memory_space<hbm>> -> memref<32x104xi32, #tpu.memory_space<hbm>>
      tpu.enqueue_dma source(%dma_start3A_74 : memref<32x104xi32, #tpu.memory_space<hbm>>) target(%arg5 : memref<32x104xi32, #tpu.memory_space<vmem>>) target_semaphore(%run_scoped3A : memref<!tpu.dma_semaphore, #tpu.memory_space<semaphore_mem>>)
      %dma_wait3A = arith.constant 0 : i32
      %dma_wait3A_75 = arith.constant 0 : i32
      %dma_wait3A_76 = tpu.memref_slice %arg3[%add3A, %dma_wait3A, %dma_wait3A_75] : memref<32x32x104xi32, #tpu.memory_space<hbm>> -> memref<1x32x104xi32, #tpu.memory_space<hbm>>
      %dma_wait3A_77 = tpu.memref_squeeze %dma_wait3A_76 : memref<1x32x104xi32, #tpu.memory_space<hbm>> -> memref<32x104xi32, #tpu.memory_space<hbm>>
      %dma_wait3A_78 = arith.constant 0 : i32
      %dma_wait3A_79 = arith.constant 0 : i32
      %dma_wait3A_80 = tpu.memref_slice %arg3[%add3A, %dma_wait3A_78, %dma_wait3A_79] : memref<32x32x104xi32, #tpu.memory_space<hbm>> -> memref<1x32x104xi32, #tpu.memory_space<hbm>>
      %dma_wait3A_81 = tpu.memref_squeeze %dma_wait3A_80 : memref<1x32x104xi32, #tpu.memory_space<hbm>> -> memref<32x104xi32, #tpu.memory_space<hbm>>
      tpu.wait_dma2 semaphore(%run_scoped3A : memref<!tpu.dma_semaphore, #tpu.memory_space<semaphore_mem>>) src(%dma_wait3A_81 : memref<32x104xi32, #tpu.memory_space<hbm>>) dst(%arg5 : memref<32x104xi32, #tpu.memory_space<vmem>>)
      tpu.yield
    }) : () -> ()
    %dma_start3A = arith.constant 0 : i32
    %dma_start3A_3 = arith.constant 0 : i32
    %dma_start3A_4 = arith.constant 0 : i32
    %dma_start3A_5 = arith.constant 0 : i32
    %dma_start3A_6 = tpu.memref_slice %arg6[%dma_start3A_3, %dma_start3A_4, %dma_start3A_5] : memref<8x104x128xf32, #tpu.memory_space<vmem>> -> memref<1x104x128xf32, #tpu.memory_space<vmem>>
    %dma_start3A_7 = tpu.memref_squeeze %dma_start3A_6 : memref<1x104x128xf32, #tpu.memory_space<vmem>> -> memref<104x128xf32, #tpu.memory_space<vmem>>
    %dma_start3A_8 = arith.constant 0 : i32
    %dma_start3A_9 = tpu.memref_slice %arg5[%dma_start3A, %dma_start3A_8] : memref<32x104xi32, #tpu.memory_space<vmem>> -> memref<1x104xi32, #tpu.memory_space<vmem>>
    %dma_start3A_10 = tpu.memref_squeeze %dma_start3A_9 : memref<1x104xi32, #tpu.memory_space<vmem>> -> memref<104xi32, #tpu.memory_space<vmem>>
    %dma_start3A_11 = arith.constant 0 : i32
    %dma_start3A_12 = arith.constant 0 : i32
    %dma_start3A_13 = tpu.memref_slice %arg2[%dma_start3A_11, %dma_start3A_12] : memref<524288x128xf32, #tpu.memory_space<hbm>> -> memref<524288x128xf32, #tpu.memory_space<hbm>>
    tpu.enqueue_indirect_dma source(%dma_start3A_13 : memref<524288x128xf32, #tpu.memory_space<hbm>>) target(%dma_start3A_7 : memref<104x128xf32, #tpu.memory_space<vmem>>) offsets(%dma_start3A_10 : memref<104xi32, #tpu.memory_space<vmem>>) semaphore(%arg7 : memref<!tpu.dma_semaphore, #tpu.memory_space<semaphore_mem>>)
    %dma_start3A_14 = arith.constant 1 : i32
    %dma_start3A_15 = arith.constant 1 : i32
    %dma_start3A_16 = arith.constant 0 : i32
    %dma_start3A_17 = arith.constant 0 : i32
    %dma_start3A_18 = tpu.memref_slice %arg6[%dma_start3A_15, %dma_start3A_16, %dma_start3A_17] : memref<8x104x128xf32, #tpu.memory_space<vmem>> -> memref<1x104x128xf32, #tpu.memory_space<vmem>>
    %dma_start3A_19 = tpu.memref_squeeze %dma_start3A_18 : memref<1x104x128xf32, #tpu.memory_space<vmem>> -> memref<104x128xf32, #tpu.memory_space<vmem>>
    %dma_start3A_20 = arith.constant 0 : i32
    %dma_start3A_21 = tpu.memref_slice %arg5[%dma_start3A_14, %dma_start3A_20] : memref<32x104xi32, #tpu.memory_space<vmem>> -> memref<1x104xi32, #tpu.memory_space<vmem>>
    %dma_start3A_22 = tpu.memref_squeeze %dma_start3A_21 : memref<1x104xi32, #tpu.memory_space<vmem>> -> memref<104xi32, #tpu.memory_space<vmem>>
    %dma_start3A_23 = arith.constant 0 : i32
    %dma_start3A_24 = arith.constant 0 : i32
    %dma_start3A_25 = tpu.memref_slice %arg2[%dma_start3A_23, %dma_start3A_24] : memref<524288x128xf32, #tpu.memory_space<hbm>> -> memref<524288x128xf32, #tpu.memory_space<hbm>>
    tpu.enqueue_indirect_dma source(%dma_start3A_25 : memref<524288x128xf32, #tpu.memory_space<hbm>>) target(%dma_start3A_19 : memref<104x128xf32, #tpu.memory_space<vmem>>) offsets(%dma_start3A_22 : memref<104xi32, #tpu.memory_space<vmem>>) semaphore(%arg7 : memref<!tpu.dma_semaphore, #tpu.memory_space<semaphore_mem>>)
    %dma_start3A_26 = arith.constant 2 : i32
    %dma_start3A_27 = arith.constant 2 : i32
    %dma_start3A_28 = arith.constant 0 : i32
    %dma_start3A_29 = arith.constant 0 : i32
    %dma_start3A_30 = tpu.memref_slice %arg6[%dma_start3A_27, %dma_start3A_28, %dma_start3A_29] : memref<8x104x128xf32, #tpu.memory_space<vmem>> -> memref<1x104x128xf32, #tpu.memory_space<vmem>>
    %dma_start3A_31 = tpu.memref_squeeze %dma_start3A_30 : memref<1x104x128xf32, #tpu.memory_space<vmem>> -> memref<104x128xf32, #tpu.memory_space<vmem>>
    %dma_start3A_32 = arith.constant 0 : i32
    %dma_start3A_33 = tpu.memref_slice %arg5[%dma_start3A_26, %dma_start3A_32] : memref<32x104xi32, #tpu.memory_space<vmem>> -> memref<1x104xi32, #tpu.memory_space<vmem>>
    %dma_start3A_34 = tpu.memref_squeeze %dma_start3A_33 : memref<1x104xi32, #tpu.memory_space<vmem>> -> memref<104xi32, #tpu.memory_space<vmem>>
    %dma_start3A_35 = arith.constant 0 : i32
    %dma_start3A_36 = arith.constant 0 : i32
    %dma_start3A_37 = tpu.memref_slice %arg2[%dma_start3A_35, %dma_start3A_36] : memref<524288x128xf32, #tpu.memory_space<hbm>> -> memref<524288x128xf32, #tpu.memory_space<hbm>>
    tpu.enqueue_indirect_dma source(%dma_start3A_37 : memref<524288x128xf32, #tpu.memory_space<hbm>>) target(%dma_start3A_31 : memref<104x128xf32, #tpu.memory_space<vmem>>) offsets(%dma_start3A_34 : memref<104xi32, #tpu.memory_space<vmem>>) semaphore(%arg7 : memref<!tpu.dma_semaphore, #tpu.memory_space<semaphore_mem>>)
    %dma_start3A_38 = arith.constant 3 : i32
    %dma_start3A_39 = arith.constant 3 : i32
    %dma_start3A_40 = arith.constant 0 : i32
    %dma_start3A_41 = arith.constant 0 : i32
    %dma_start3A_42 = tpu.memref_slice %arg6[%dma_start3A_39, %dma_start3A_40, %dma_start3A_41] : memref<8x104x128xf32, #tpu.memory_space<vmem>> -> memref<1x104x128xf32, #tpu.memory_space<vmem>>
    %dma_start3A_43 = tpu.memref_squeeze %dma_start3A_42 : memref<1x104x128xf32, #tpu.memory_space<vmem>> -> memref<104x128xf32, #tpu.memory_space<vmem>>
    %dma_start3A_44 = arith.constant 0 : i32
    %dma_start3A_45 = tpu.memref_slice %arg5[%dma_start3A_38, %dma_start3A_44] : memref<32x104xi32, #tpu.memory_space<vmem>> -> memref<1x104xi32, #tpu.memory_space<vmem>>
    %dma_start3A_46 = tpu.memref_squeeze %dma_start3A_45 : memref<1x104xi32, #tpu.memory_space<vmem>> -> memref<104xi32, #tpu.memory_space<vmem>>
    %dma_start3A_47 = arith.constant 0 : i32
    %dma_start3A_48 = arith.constant 0 : i32
    %dma_start3A_49 = tpu.memref_slice %arg2[%dma_start3A_47, %dma_start3A_48] : memref<524288x128xf32, #tpu.memory_space<hbm>> -> memref<524288x128xf32, #tpu.memory_space<hbm>>
    tpu.enqueue_indirect_dma source(%dma_start3A_49 : memref<524288x128xf32, #tpu.memory_space<hbm>>) target(%dma_start3A_43 : memref<104x128xf32, #tpu.memory_space<vmem>>) offsets(%dma_start3A_46 : memref<104xi32, #tpu.memory_space<vmem>>) semaphore(%arg7 : memref<!tpu.dma_semaphore, #tpu.memory_space<semaphore_mem>>)
    %scan3A = arith.constant 0 : i32
    %scan3A_50 = arith.constant 0 : i32
    %scan3A_51 = arith.constant 28 : i32
    %scan3A_52 = arith.addi %scan3A_50, %scan3A_51 : i32
    %scan3A_53 = arith.constant 1 : i32
    scf.for %scan3A_67 = %scan3A_50 to %scan3A_52 step %scan3A_53  : i32 {
      %jit3A = arith.constant 8 : i32
      %eq3A = arith.constant 0 : i32
      %eq3A_68 = arith.cmpi eq, %jit3A, %eq3A : i32
      %jit3A_69 = arith.constant 1 : i32
      %select_n3A = arith.select %eq3A_68, %jit3A_69, %jit3A : i32
      %rem3A = arith.remsi %scan3A_67, %select_n3A : i32
      %ne3A = arith.constant 0 : i32
      %ne3A_70 = arith.cmpi ne, %rem3A, %ne3A : i32
      %lt3A = arith.constant 0 : i32
      %lt3A_71 = arith.cmpi slt, %rem3A, %lt3A : i32
      %lt3A_72 = arith.constant 0 : i32
      %lt3A_73 = arith.cmpi slt, %select_n3A, %lt3A_72 : i32
      %ne3A_74 = arith.xori %lt3A_71, %lt3A_73 : i1
      %and3A = arith.andi %ne3A_74, %ne3A_70 : i1
      %add3A_75 = arith.addi %rem3A, %select_n3A : i32
      %select_n3A_76 = arith.select %and3A, %add3A_75, %rem3A : i32
      %dma_wait3A = arith.constant 0 : i32
      %dma_wait3A_77 = arith.constant 0 : i32
      %dma_wait3A_78 = tpu.memref_slice %arg6[%select_n3A_76, %dma_wait3A, %dma_wait3A_77] : memref<8x104x128xf32, #tpu.memory_space<vmem>> -> memref<1x104x128xf32, #tpu.memory_space<vmem>>
      %dma_wait3A_79 = tpu.memref_squeeze %dma_wait3A_78 : memref<1x104x128xf32, #tpu.memory_space<vmem>> -> memref<104x128xf32, #tpu.memory_space<vmem>>
      %dma_wait3A_80 = arith.constant 0 : i32
      %dma_wait3A_81 = tpu.memref_slice %arg5[%scan3A_67, %dma_wait3A_80] : memref<32x104xi32, #tpu.memory_space<vmem>> -> memref<1x104xi32, #tpu.memory_space<vmem>>
      %dma_wait3A_82 = tpu.memref_squeeze %dma_wait3A_81 : memref<1x104xi32, #tpu.memory_space<vmem>> -> memref<104xi32, #tpu.memory_space<vmem>>
      %dma_wait3A_83 = arith.constant 0 : i32
      %dma_wait3A_84 = arith.constant 0 : i32
      %dma_wait3A_85 = tpu.memref_slice %arg2[%dma_wait3A_83, %dma_wait3A_84] : memref<524288x128xf32, #tpu.memory_space<hbm>> -> memref<524288x128xf32, #tpu.memory_space<hbm>>
      tpu.wait_indirect_dma semaphore(%arg7 : memref<!tpu.dma_semaphore, #tpu.memory_space<semaphore_mem>>) src(%dma_wait3A_85 : memref<524288x128xf32, #tpu.memory_space<hbm>>) dst(%dma_wait3A_79 : memref<104x128xf32, #tpu.memory_space<vmem>>)
      %jit3A_86 = arith.constant 8 : i32
      %eq3A_87 = arith.constant 0 : i32
      %eq3A_88 = arith.cmpi eq, %jit3A_86, %eq3A_87 : i32
      %jit3A_89 = arith.constant 1 : i32
      %select_n3A_90 = arith.select %eq3A_88, %jit3A_89, %jit3A_86 : i32
      %rem3A_91 = arith.remsi %scan3A_67, %select_n3A_90 : i32
      %ne3A_92 = arith.constant 0 : i32
      %ne3A_93 = arith.cmpi ne, %rem3A_91, %ne3A_92 : i32
      %lt3A_94 = arith.constant 0 : i32
      %lt3A_95 = arith.cmpi slt, %rem3A_91, %lt3A_94 : i32
      %lt3A_96 = arith.constant 0 : i32
      %lt3A_97 = arith.cmpi slt, %select_n3A_90, %lt3A_96 : i32
      %ne3A_98 = arith.xori %lt3A_95, %lt3A_97 : i1
      %and3A_99 = arith.andi %ne3A_98, %ne3A_93 : i1
      %add3A_100 = arith.addi %rem3A_91, %select_n3A_90 : i32
      %select_n3A_101 = arith.select %and3A_99, %add3A_100, %rem3A_91 : i32
      %mul3A_102 = arith.constant 104 : i32
      %mul3A_103 = arith.muli %scan3A_67, %mul3A_102 : i32
      %add3A_104 = arith.addi %mul3A_2, %mul3A_103 : i32
      %dma_start3A_105 = arith.constant 0 : i32
      %dma_start3A_106 = arith.constant 0 : i32
      %dma_start3A_107 = tpu.memref_slice %arg6[%select_n3A_101, %dma_start3A_105, %dma_start3A_106] : memref<8x104x128xf32, #tpu.memory_space<vmem>> -> memref<1x104x128xf32, #tpu.memory_space<vmem>>
      %dma_start3A_108 = tpu.memref_squeeze %dma_start3A_107 : memref<1x104x128xf32, #tpu.memory_space<vmem>> -> memref<104x128xf32, #tpu.memory_space<vmem>>
      %dma_start3A_109 = arith.constant 0 : i32
      %dma_start3A_110 = tpu.memref_slice %arg4[%add3A_104, %dma_start3A_109] : memref<106496x128xf32, #tpu.memory_space<hbm>> -> memref<104x128xf32, #tpu.memory_space<hbm>>
      %dma_start3A_111 = arith.constant 0 : i32
      %dma_start3A_112 = tpu.memref_slice %arg4[%add3A_104, %dma_start3A_111] : memref<106496x128xf32, #tpu.memory_space<hbm>> -> memref<104x128xf32, #tpu.memory_space<hbm>>
      %dma_start3A_113 = arith.constant 0 : i32
      %dma_start3A_114 = arith.constant 0 : i32
      %dma_start3A_115 = tpu.memref_slice %arg6[%select_n3A_101, %dma_start3A_113, %dma_start3A_114] : memref<8x104x128xf32, #tpu.memory_space<vmem>> -> memref<1x104x128xf32, #tpu.memory_space<vmem>>
      %dma_start3A_116 = tpu.memref_squeeze %dma_start3A_115 : memref<1x104x128xf32, #tpu.memory_space<vmem>> -> memref<104x128xf32, #tpu.memory_space<vmem>>
      tpu.enqueue_dma source(%dma_start3A_116 : memref<104x128xf32, #tpu.memory_space<vmem>>) target(%dma_start3A_112 : memref<104x128xf32, #tpu.memory_space<hbm>>) target_semaphore(%arg8 : memref<!tpu.dma_semaphore, #tpu.memory_space<semaphore_mem>>)
      %ge3A = arith.constant 4 : i32
      %ge3A_117 = arith.cmpi sge, %scan3A_67, %ge3A : i32
      %convert_element_type3A = arith.extui %ge3A_117 : i1 to i32
      %cond3A = arith.constant 0 : i32
      %cond3A_118 = arith.cmpi ne, %convert_element_type3A, %cond3A : i32
      scf.if %cond3A_118 {
        %sub3A = arith.constant 4 : i32
        %sub3A_147 = arith.subi %scan3A_67, %sub3A : i32
        %jit3A_148 = arith.constant 8 : i32
        %eq3A_149 = arith.constant 0 : i32
        %eq3A_150 = arith.cmpi eq, %jit3A_148, %eq3A_149 : i32
        %jit3A_151 = arith.constant 1 : i32
        %select_n3A_152 = arith.select %eq3A_150, %jit3A_151, %jit3A_148 : i32
        %rem3A_153 = arith.remsi %sub3A_147, %select_n3A_152 : i32
        %ne3A_154 = arith.constant 0 : i32
        %ne3A_155 = arith.cmpi ne, %rem3A_153, %ne3A_154 : i32
        %lt3A_156 = arith.constant 0 : i32
        %lt3A_157 = arith.cmpi slt, %rem3A_153, %lt3A_156 : i32
        %lt3A_158 = arith.constant 0 : i32
        %lt3A_159 = arith.cmpi slt, %select_n3A_152, %lt3A_158 : i32
        %ne3A_160 = arith.xori %lt3A_157, %lt3A_159 : i1
        %and3A_161 = arith.andi %ne3A_160, %ne3A_155 : i1
        %add3A_162 = arith.addi %rem3A_153, %select_n3A_152 : i32
        %select_n3A_163 = arith.select %and3A_161, %add3A_162, %rem3A_153 : i32
        %mul3A_164 = arith.constant 104 : i32
        %mul3A_165 = arith.muli %sub3A_147, %mul3A_164 : i32
        %add3A_166 = arith.addi %mul3A_2, %mul3A_165 : i32
        %dma_wait3A_167 = arith.constant 0 : i32
        %dma_wait3A_168 = arith.constant 0 : i32
        %dma_wait3A_169 = tpu.memref_slice %arg6[%select_n3A_163, %dma_wait3A_167, %dma_wait3A_168] : memref<8x104x128xf32, #tpu.memory_space<vmem>> -> memref<1x104x128xf32, #tpu.memory_space<vmem>>
        %dma_wait3A_170 = tpu.memref_squeeze %dma_wait3A_169 : memref<1x104x128xf32, #tpu.memory_space<vmem>> -> memref<104x128xf32, #tpu.memory_space<vmem>>
        %dma_wait3A_171 = arith.constant 0 : i32
        %dma_wait3A_172 = tpu.memref_slice %arg4[%add3A_166, %dma_wait3A_171] : memref<106496x128xf32, #tpu.memory_space<hbm>> -> memref<104x128xf32, #tpu.memory_space<hbm>>
        %dma_wait3A_173 = arith.constant 0 : i32
        %dma_wait3A_174 = tpu.memref_slice %arg4[%add3A_166, %dma_wait3A_173] : memref<106496x128xf32, #tpu.memory_space<hbm>> -> memref<104x128xf32, #tpu.memory_space<hbm>>
        %dma_wait3A_175 = arith.constant 0 : i32
        %dma_wait3A_176 = arith.constant 0 : i32
        %dma_wait3A_177 = tpu.memref_slice %arg6[%select_n3A_163, %dma_wait3A_175, %dma_wait3A_176] : memref<8x104x128xf32, #tpu.memory_space<vmem>> -> memref<1x104x128xf32, #tpu.memory_space<vmem>>
        %dma_wait3A_178 = tpu.memref_squeeze %dma_wait3A_177 : memref<1x104x128xf32, #tpu.memory_space<vmem>> -> memref<104x128xf32, #tpu.memory_space<vmem>>
        tpu.wait_dma2 semaphore(%arg8 : memref<!tpu.dma_semaphore, #tpu.memory_space<semaphore_mem>>) src(%dma_wait3A_178 : memref<104x128xf32, #tpu.memory_space<vmem>>) dst(%dma_wait3A_174 : memref<104x128xf32, #tpu.memory_space<hbm>>)
      } else {
      }
      %add3A_119 = arith.constant 4 : i32
      %add3A_120 = arith.addi %scan3A_67, %add3A_119 : i32
      %jit3A_121 = arith.constant 8 : i32
      %eq3A_122 = arith.constant 0 : i32
      %eq3A_123 = arith.cmpi eq, %jit3A_121, %eq3A_122 : i32
      %jit3A_124 = arith.constant 1 : i32
      %select_n3A_125 = arith.select %eq3A_123, %jit3A_124, %jit3A_121 : i32
      %rem3A_126 = arith.remsi %add3A_120, %select_n3A_125 : i32
      %ne3A_127 = arith.constant 0 : i32
      %ne3A_128 = arith.cmpi ne, %rem3A_126, %ne3A_127 : i32
      %lt3A_129 = arith.constant 0 : i32
      %lt3A_130 = arith.cmpi slt, %rem3A_126, %lt3A_129 : i32
      %lt3A_131 = arith.constant 0 : i32
      %lt3A_132 = arith.cmpi slt, %select_n3A_125, %lt3A_131 : i32
      %ne3A_133 = arith.xori %lt3A_130, %lt3A_132 : i1
      %and3A_134 = arith.andi %ne3A_133, %ne3A_128 : i1
      %add3A_135 = arith.addi %rem3A_126, %select_n3A_125 : i32
      %select_n3A_136 = arith.select %and3A_134, %add3A_135, %rem3A_126 : i32
      %dma_start3A_137 = arith.constant 0 : i32
      %dma_start3A_138 = arith.constant 0 : i32
      %dma_start3A_139 = tpu.memref_slice %arg6[%select_n3A_136, %dma_start3A_137, %dma_start3A_138] : memref<8x104x128xf32, #tpu.memory_space<vmem>> -> memref<1x104x128xf32, #tpu.memory_space<vmem>>
      %dma_start3A_140 = tpu.memref_squeeze %dma_start3A_139 : memref<1x104x128xf32, #tpu.memory_space<vmem>> -> memref<104x128xf32, #tpu.memory_space<vmem>>
      %dma_start3A_141 = arith.constant 0 : i32
      %dma_start3A_142 = tpu.memref_slice %arg5[%add3A_120, %dma_start3A_141] : memref<32x104xi32, #tpu.memory_space<vmem>> -> memref<1x104xi32, #tpu.memory_space<vmem>>
      %dma_start3A_143 = tpu.memref_squeeze %dma_start3A_142 : memref<1x104xi32, #tpu.memory_space<vmem>> -> memref<104xi32, #tpu.memory_space<vmem>>
      %dma_start3A_144 = arith.constant 0 : i32
      %dma_start3A_145 = arith.constant 0 : i32
      %dma_start3A_146 = tpu.memref_slice %arg2[%dma_start3A_144, %dma_start3A_145] : memref<524288x128xf32, #tpu.memory_space<hbm>> -> memref<524288x128xf32, #tpu.memory_space<hbm>>
      tpu.enqueue_indirect_dma source(%dma_start3A_146 : memref<524288x128xf32, #tpu.memory_space<hbm>>) target(%dma_start3A_140 : memref<104x128xf32, #tpu.memory_space<vmem>>) offsets(%dma_start3A_143 : memref<104xi32, #tpu.memory_space<vmem>>) semaphore(%arg7 : memref<!tpu.dma_semaphore, #tpu.memory_space<semaphore_mem>>)
    }
    %scan3A_54 = arith.constant 28 : i32
    %scan3A_55 = arith.constant 0 : i32
    %scan3A_56 = arith.constant 28 : i32
    %scan3A_57 = arith.constant 4 : i32
    %scan3A_58 = arith.addi %scan3A_56, %scan3A_57 : i32
    %scan3A_59 = arith.constant 1 : i32
    scf.for %scan3A_67 = %scan3A_56 to %scan3A_58 step %scan3A_59  : i32 {
      %jit3A = arith.constant 8 : i32
      %eq3A = arith.constant 0 : i32
      %eq3A_68 = arith.cmpi eq, %jit3A, %eq3A : i32
      %jit3A_69 = arith.constant 1 : i32
      %select_n3A = arith.select %eq3A_68, %jit3A_69, %jit3A : i32
      %rem3A = arith.remsi %scan3A_67, %select_n3A : i32
      %ne3A = arith.constant 0 : i32
      %ne3A_70 = arith.cmpi ne, %rem3A, %ne3A : i32
      %lt3A = arith.constant 0 : i32
      %lt3A_71 = arith.cmpi slt, %rem3A, %lt3A : i32
      %lt3A_72 = arith.constant 0 : i32
      %lt3A_73 = arith.cmpi slt, %select_n3A, %lt3A_72 : i32
      %ne3A_74 = arith.xori %lt3A_71, %lt3A_73 : i1
      %and3A = arith.andi %ne3A_74, %ne3A_70 : i1
      %add3A_75 = arith.addi %rem3A, %select_n3A : i32
      %select_n3A_76 = arith.select %and3A, %add3A_75, %rem3A : i32
      %dma_wait3A = arith.constant 0 : i32
      %dma_wait3A_77 = arith.constant 0 : i32
      %dma_wait3A_78 = tpu.memref_slice %arg6[%select_n3A_76, %dma_wait3A, %dma_wait3A_77] : memref<8x104x128xf32, #tpu.memory_space<vmem>> -> memref<1x104x128xf32, #tpu.memory_space<vmem>>
      %dma_wait3A_79 = tpu.memref_squeeze %dma_wait3A_78 : memref<1x104x128xf32, #tpu.memory_space<vmem>> -> memref<104x128xf32, #tpu.memory_space<vmem>>
      %dma_wait3A_80 = arith.constant 0 : i32
      %dma_wait3A_81 = tpu.memref_slice %arg5[%scan3A_67, %dma_wait3A_80] : memref<32x104xi32, #tpu.memory_space<vmem>> -> memref<1x104xi32, #tpu.memory_space<vmem>>
      %dma_wait3A_82 = tpu.memref_squeeze %dma_wait3A_81 : memref<1x104xi32, #tpu.memory_space<vmem>> -> memref<104xi32, #tpu.memory_space<vmem>>
      %dma_wait3A_83 = arith.constant 0 : i32
      %dma_wait3A_84 = arith.constant 0 : i32
      %dma_wait3A_85 = tpu.memref_slice %arg2[%dma_wait3A_83, %dma_wait3A_84] : memref<524288x128xf32, #tpu.memory_space<hbm>> -> memref<524288x128xf32, #tpu.memory_space<hbm>>
      tpu.wait_indirect_dma semaphore(%arg7 : memref<!tpu.dma_semaphore, #tpu.memory_space<semaphore_mem>>) src(%dma_wait3A_85 : memref<524288x128xf32, #tpu.memory_space<hbm>>) dst(%dma_wait3A_79 : memref<104x128xf32, #tpu.memory_space<vmem>>)
      %jit3A_86 = arith.constant 8 : i32
      %eq3A_87 = arith.constant 0 : i32
      %eq3A_88 = arith.cmpi eq, %jit3A_86, %eq3A_87 : i32
      %jit3A_89 = arith.constant 1 : i32
      %select_n3A_90 = arith.select %eq3A_88, %jit3A_89, %jit3A_86 : i32
      %rem3A_91 = arith.remsi %scan3A_67, %select_n3A_90 : i32
      %ne3A_92 = arith.constant 0 : i32
      %ne3A_93 = arith.cmpi ne, %rem3A_91, %ne3A_92 : i32
      %lt3A_94 = arith.constant 0 : i32
      %lt3A_95 = arith.cmpi slt, %rem3A_91, %lt3A_94 : i32
      %lt3A_96 = arith.constant 0 : i32
      %lt3A_97 = arith.cmpi slt, %select_n3A_90, %lt3A_96 : i32
      %ne3A_98 = arith.xori %lt3A_95, %lt3A_97 : i1
      %and3A_99 = arith.andi %ne3A_98, %ne3A_93 : i1
      %add3A_100 = arith.addi %rem3A_91, %select_n3A_90 : i32
      %select_n3A_101 = arith.select %and3A_99, %add3A_100, %rem3A_91 : i32
      %mul3A_102 = arith.constant 104 : i32
      %mul3A_103 = arith.muli %scan3A_67, %mul3A_102 : i32
      %add3A_104 = arith.addi %mul3A_2, %mul3A_103 : i32
      %dma_start3A_105 = arith.constant 0 : i32
      %dma_start3A_106 = arith.constant 0 : i32
      %dma_start3A_107 = tpu.memref_slice %arg6[%select_n3A_101, %dma_start3A_105, %dma_start3A_106] : memref<8x104x128xf32, #tpu.memory_space<vmem>> -> memref<1x104x128xf32, #tpu.memory_space<vmem>>
      %dma_start3A_108 = tpu.memref_squeeze %dma_start3A_107 : memref<1x104x128xf32, #tpu.memory_space<vmem>> -> memref<104x128xf32, #tpu.memory_space<vmem>>
      %dma_start3A_109 = arith.constant 0 : i32
      %dma_start3A_110 = tpu.memref_slice %arg4[%add3A_104, %dma_start3A_109] : memref<106496x128xf32, #tpu.memory_space<hbm>> -> memref<104x128xf32, #tpu.memory_space<hbm>>
      %dma_start3A_111 = arith.constant 0 : i32
      %dma_start3A_112 = tpu.memref_slice %arg4[%add3A_104, %dma_start3A_111] : memref<106496x128xf32, #tpu.memory_space<hbm>> -> memref<104x128xf32, #tpu.memory_space<hbm>>
      %dma_start3A_113 = arith.constant 0 : i32
      %dma_start3A_114 = arith.constant 0 : i32
      %dma_start3A_115 = tpu.memref_slice %arg6[%select_n3A_101, %dma_start3A_113, %dma_start3A_114] : memref<8x104x128xf32, #tpu.memory_space<vmem>> -> memref<1x104x128xf32, #tpu.memory_space<vmem>>
      %dma_start3A_116 = tpu.memref_squeeze %dma_start3A_115 : memref<1x104x128xf32, #tpu.memory_space<vmem>> -> memref<104x128xf32, #tpu.memory_space<vmem>>
      tpu.enqueue_dma source(%dma_start3A_116 : memref<104x128xf32, #tpu.memory_space<vmem>>) target(%dma_start3A_112 : memref<104x128xf32, #tpu.memory_space<hbm>>) target_semaphore(%arg8 : memref<!tpu.dma_semaphore, #tpu.memory_space<semaphore_mem>>)
    }
    %scan3A_60 = arith.constant 4 : i32
    %scan3A_61 = arith.constant 0 : i32
    %scan3A_62 = arith.constant 24 : i32
    %scan3A_63 = arith.constant 8 : i32
    %scan3A_64 = arith.addi %scan3A_62, %scan3A_63 : i32
    %scan3A_65 = arith.constant 1 : i32
    scf.for %scan3A_67 = %scan3A_62 to %scan3A_64 step %scan3A_65  : i32 {
      %jit3A = arith.constant 8 : i32
      %eq3A = arith.constant 0 : i32
      %eq3A_68 = arith.cmpi eq, %jit3A, %eq3A : i32
      %jit3A_69 = arith.constant 1 : i32
      %select_n3A = arith.select %eq3A_68, %jit3A_69, %jit3A : i32
      %rem3A = arith.remsi %scan3A_67, %select_n3A : i32
      %ne3A = arith.constant 0 : i32
      %ne3A_70 = arith.cmpi ne, %rem3A, %ne3A : i32
      %lt3A = arith.constant 0 : i32
      %lt3A_71 = arith.cmpi slt, %rem3A, %lt3A : i32
      %lt3A_72 = arith.constant 0 : i32
      %lt3A_73 = arith.cmpi slt, %select_n3A, %lt3A_72 : i32
      %ne3A_74 = arith.xori %lt3A_71, %lt3A_73 : i1
      %and3A = arith.andi %ne3A_74, %ne3A_70 : i1
      %add3A_75 = arith.addi %rem3A, %select_n3A : i32
      %select_n3A_76 = arith.select %and3A, %add3A_75, %rem3A : i32
      %mul3A_77 = arith.constant 104 : i32
      %mul3A_78 = arith.muli %scan3A_67, %mul3A_77 : i32
      %add3A_79 = arith.addi %mul3A_2, %mul3A_78 : i32
      %dma_wait3A = arith.constant 0 : i32
      %dma_wait3A_80 = arith.constant 0 : i32
      %dma_wait3A_81 = tpu.memref_slice %arg6[%select_n3A_76, %dma_wait3A, %dma_wait3A_80] : memref<8x104x128xf32, #tpu.memory_space<vmem>> -> memref<1x104x128xf32, #tpu.memory_space<vmem>>
      %dma_wait3A_82 = tpu.memref_squeeze %dma_wait3A_81 : memref<1x104x128xf32, #tpu.memory_space<vmem>> -> memref<104x128xf32, #tpu.memory_space<vmem>>
      %dma_wait3A_83 = arith.constant 0 : i32
      %dma_wait3A_84 = tpu.memref_slice %arg4[%add3A_79, %dma_wait3A_83] : memref<106496x128xf32, #tpu.memory_space<hbm>> -> memref<104x128xf32, #tpu.memory_space<hbm>>
      %dma_wait3A_85 = arith.constant 0 : i32
      %dma_wait3A_86 = tpu.memref_slice %arg4[%add3A_79, %dma_wait3A_85] : memref<106496x128xf32, #tpu.memory_space<hbm>> -> memref<104x128xf32, #tpu.memory_space<hbm>>
      %dma_wait3A_87 = arith.constant 0 : i32
      %dma_wait3A_88 = arith.constant 0 : i32
      %dma_wait3A_89 = tpu.memref_slice %arg6[%select_n3A_76, %dma_wait3A_87, %dma_wait3A_88] : memref<8x104x128xf32, #tpu.memory_space<vmem>> -> memref<1x104x128xf32, #tpu.memory_space<vmem>>
      %dma_wait3A_90 = tpu.memref_squeeze %dma_wait3A_89 : memref<1x104x128xf32, #tpu.memory_space<vmem>> -> memref<104x128xf32, #tpu.memory_space<vmem>>
      tpu.wait_dma2 semaphore(%arg8 : memref<!tpu.dma_semaphore, #tpu.memory_space<semaphore_mem>>) src(%dma_wait3A_90 : memref<104x128xf32, #tpu.memory_space<vmem>>) dst(%dma_wait3A_86 : memref<104x128xf32, #tpu.memory_space<hbm>>)
    }
    %scan3A_66 = arith.constant 8 : i32
    return
  }
}

</mosaic_0001>

<sc_bundles>
// kernel: _gather_call.3.cloned.1.call-start
scs
__scs_entry_jumppad:
0x0: {  	(pc) =	sbr.rel $0x88, $3  }
0x1: {  	(tag) =	ssettag $0x0;
	lr =	simm.s32 $0x1  }
0x2: {  	[smem:$0x3F9F] =	sst lr;
	_ =	strace $0xD0000000  }
0x3: {  	_ = 	snop  }
0x4: {  	_ = 	snop  }
0x5: {  	_ = 	snop  }
0x6: {  	_ = 	snop  }
0x7: {  	_ = 	snop  }
__scs_overlays_trampoline_lowered:
0x8: {  	[smem:$0x3FAE] =	sst s0  }
0x9: {  	[smem:$0x3FAF] =	sst s1  }
0xa: {  	[smem:$0x3FB0] =	sst s2  }
0xb: {  	[smem:$0x3FB1] =	sst s3  }
0xc: {  	[smem:$0x3FB2] =	sst s4  }
0xd: {  	[smem:$0x3FB3] =	sst s5  }
0xe: {  	[smem:$0x3FB4] =	sst s6  }
0xf: {  	[smem:$0x3FB5] =	sst s7  }
0x10: {  	[smem:$0x3FB6] =	sst s8  }
0x11: {  	[smem:$0x3FB7] =	sst s9;
	s0 =	simm.s32 @!p0 $0x0  }
0x12: {  	s1 =	sld [smem:$0x3F9D];
	s0 =	simm.s32 @p0 $0x1  }
0x13: {  	[smem:$0x3FB8] =	sst s0;
	s0 =	simm.s32 @!p1 $0x0  }
0x14: {  	s2 =	sld [smem:$0x3F9C];
	s0 =	simm.s32 @p1 $0x1  }
0x15: {  	[smem:$0x3FB9] =	sst s0;
	s0 =	simm.s32 @!p2 $0x0  }
0x16: {  	s3 =	sld [smem:$0x3FDB];
	s0 =	simm.s32 @p2 $0x1  }
0x17: {  	s4 =	simm.s32 $0x1BF5;
	[smem:$0x3FBB] =	sst s0  }
0x18: {  	s0 =	sld [smem:$0x3F9E];
	_ =	swait.ge [sflag:s4], $0x0  }
0x19: {  	s7 =	sld [smem:$0x3F9F]  }
0x1a: {  	s8 =	sadd.s32 $0xFFFFE003, lr  }
0x1b: {  	s9 =	sadd.s32 $0xFFFFFEF7, lr;
	s5 =	simm.s32 $0xFFFFFFFF;
	p2 =	slt.u32 s8, $0xFFFFF086  }
0x1c: {  	p1 =	slt.u32 s9, $0xF7A;
	s5 =	simm.s32 @!p2 $0x0  }
0x1d: {  	s5 =	simm.s32 @p1 $0x1;
	p0 =	seq.s32 s7, s2  }
0x1e: {  	s7 =	smul.u32 @!p0 $0xF7A, s2;
	p2 =	seq.s32 @!p0 s5, $0x0  }
0x1f: {  	s9 =	smul.u32 $0xF7A, s1;
	s8 =	simm.s32 @!p0 $0x1BF5;
	p2 =	por !p2, p0  }
0x20: {  	[sflag:s8] =	ssyncset.s32 @!p0 $0xFFFFF086;
	s6 =	sadd.s32 @!p0 s3, s7;
	s7 =	simm.s32 @!p0 $0x108  }
0x21: {  	s3 =	sadd.s32 s3, s9;
	s6 =	sadd.s32 @!p0 $0x88, s6;
	s7 =	simm.s32 @p2 $0x1082  }
0x22: {  	[simem:s7], [sflag:s8] =	dma.local @!p0 [hbm:s6], $0xF7A  }
0x23: {  	s9 =	sor.u32 $0xD0000000, s2;
	s6 =	simm.s32 $0x108;
	_ =	swait.ge @!p0 [sflag:s8], $0x0  }
0x24: {  	s3 =	sadd.s32 $0x88, s3;
	s6 =	simm.s32 @!p1 $0x1082;
	[sflag:s4] =	ssyncset.s32 $0xFFFFF086  }
0x25: {  	[simem:s6], [sflag:s4] =	dma.local [hbm:s3], $0xF7A  }
0x26: {  	[smem:$0x3F9F] =	sst s1;
	(tag) =	ssettag s2;
	_ =	strace s9  }
0x27: {  	s1 =	sld [smem:$0x3FAF]  }
0x28: {  	s2 =	sld [smem:$0x3FB0]  }
0x29: {  	s4 =	sld [smem:$0x3FB2]  }
0x2a: {  	p0 =	seq.s32 s5, $0x0;
	s5 =	sld [smem:$0x3FB3]  }
0x2b: {  	s6 =	sld [smem:$0x3FB4]  }
0x2c: {  	s7 =	sld [smem:$0x3FB5]  }
0x2d: {  	s3 =	simm.s32 $0x108;
	s8 =	sld [smem:$0x3FB6]  }
0x2e: {  	s3 =	simm.s32 @!p0 $0x1082;
	s9 =	sld [smem:$0x3FB7]  }
0x2f: {  	lr =	sadd.s32 s0, s3;
	s0 =	sld [smem:$0x3FAE]  }
0x30: {  	s3 =	sld [smem:$0x3FB1]  }
0x31: {  	[smem:$0x3FBA] =	sst s10  }
0x32: {  	s10 =	sld [smem:$0x3FB8];
	_ =	sdelay $0x3  }
0x33: {  	p0 =	seq.s32 s10, $0x1;
	s10 =	sld [smem:$0x3FBA];
	_ =	sdelay $0x3  }
0x34: {  	[smem:$0x3FBA] =	sst s10  }
0x35: {  	s10 =	sld [smem:$0x3FB9];
	_ =	sdelay $0x3  }
0x36: {  	p1 =	seq.s32 s10, $0x1;
	s10 =	sld [smem:$0x3FBA];
	_ =	sdelay $0x3  }
0x37: {  	[smem:$0x3FBA] =	sst s10  }
0x38: {  	s10 =	sld [smem:$0x3FBB]  }
0x39: {  	_ = 	snop;
	(pc) =	sbr.ind lr, $3  }
0x3a: {  	_ = 	snop  }
0x3b: {  	_ = 	snop  }
0x3c: {  	p2 =	seq.s32 s10, $0x1;
	s10 =	sld [smem:$0x3FBA]  }
0x3d: {  	_ =	shalt  }
0x3e: {  	_ =	shalt  }
0x3f: {  	_ =	shalt  }
0x40: {  	_ =	shalt  }
0x41: {  	_ =	shalt  }
0x42: {  	_ =	shalt  }
0x43: {  	_ =	shalt  }
0x44: {  	_ =	shalt  }
0x45: {  	_ =	shalt  }
0x46: {  	_ =	shalt  }
0x47: {  	_ =	shalt  }
0x48: {  	_ =	shalt  }
0x49: {  	_ =	shalt  }
0x4a: {  	_ =	shalt  }
0x4b: {  	_ =	shalt  }
0x4c: {  	_ =	shalt  }
0x4d: {  	_ =	shalt  }
0x4e: {  	_ =	shalt  }
0x4f: {  	_ =	shalt  }
0x50: {  	_ =	shalt  }
0x51: {  	_ =	shalt  }
0x52: {  	_ =	shalt  }
0x53: {  	_ =	shalt  }
0x54: {  	_ =	shalt  }
0x55: {  	_ =	shalt  }
0x56: {  	_ =	shalt  }
0x57: {  	_ =	shalt  }
0x58: {  	_ =	shalt  }
0x59: {  	_ =	shalt  }
0x5a: {  	_ =	shalt  }
0x5b: {  	_ =	shalt  }
0x5c: {  	_ =	shalt  }
0x5d: {  	_ =	shalt  }
0x5e: {  	_ =	shalt  }
0x5f: {  	_ =	shalt  }
0x60: {  	_ =	shalt  }
0x61: {  	_ =	shalt  }
0x62: {  	_ =	shalt  }
0x63: {  	_ =	shalt  }
0x64: {  	_ =	shalt  }
0x65: {  	_ =	shalt  }
0x66: {  	_ =	shalt  }
0x67: {  	_ =	shalt  }
0x68: {  	_ =	shalt  }
0x69: {  	_ =	shalt  }
0x6a: {  	_ =	shalt  }
0x6b: {  	_ =	shalt  }
0x6c: {  	_ =	shalt  }
0x6d: {  	_ =	shalt  }
0x6e: {  	_ =	shalt  }
0x6f: {  	_ =	shalt  }
0x70: {  	_ =	shalt  }
0x71: {  	_ =	shalt  }
0x72: {  	_ =	shalt  }
0x73: {  	_ =	shalt  }
0x74: {  	_ =	shalt  }
0x75: {  	_ =	shalt  }
0x76: {  	_ =	shalt  }
0x77: {  	_ =	shalt  }
0x78: {  	_ =	shalt  }
0x79: {  	_ =	shalt  }
0x7a: {  	_ =	shalt  }
0x7b: {  	_ =	shalt  }
0x7c: {  	_ =	shalt  }
0x7d: {  	_ =	shalt  }
0x7e: {  	_ =	shalt  }
0x7f: {  	_ =	shalt  }
0x80: {  	_ =	shalt  }
0x81: {  	_ =	shalt  }
0x82: {  	_ =	shalt  }
0x83: {  	_ =	shalt  }
0x84: {  	_ =	shalt  }
0x85: {  	_ =	shalt  }
0x86: {  	_ =	shalt  }
0x87: {  	_ =	shalt  }
.Lfunc_end0:
.L_simem_size_0:
called_computation_lowered:
.L_overlay_start_0:
0x88: {  	s2 =	sld [smem:$0x3FD9]  }
0x89: {  	s3 =	sld [smem:$0x3FFE];
	_ =	sdelay $0x1  }
0x8a: {  	s1 =	srdreg.scid  }
0x8b: {  	s0 =	sand.u32 $0x1, s1  }
0x8c: {  	s17 =	sshll.u32 s0, $0xA;
	s2 =	sadd.s32 s3, s2  }
0x8d: {  	s2 =	sadd.s32 s2, s17  }
0x8e: {  	[smem:$0x3FC6] =	sst s2  }
0x8f: {  	_ = 	snop  }
0x90: {  	s2 =	sld [smem:$0x3FC9]  }
0x91: {  	s18 =	sld [smem:$0x3FD0];
	(tm) =	ssettm $0x1  }
0x92: {  	s4 =	sld [smem:$0x3FFB];
	_ =	sdelay $0x3  }
0x93: {  	_ =	strace s4  }
0x94: {  	s4 =	sld [smem:$0x3FFC];
	_ =	sdelay $0x3  }
0x95: {  	_ =	strace s4  }
0x96: {  	s4 =	sld [smem:$0x3FFD];
	_ =	sdelay $0x3  }
0x97: {  	_ =	strace s4  }
0x98: {  	_ =	strace $0x8FFFFFFF  }
0x99: {  	s19 =	sld [smem:$0x3FDB];
	_ =	sdelay $0x1  }
0x9a: {  	s5 =	simm.s32 $_scs_section_size  }
0x9b: {  	s6 =	simm.s32 $_size__tile_overlayer_lowered;
	s7 =	simm.s32 $_tile_overlayer_lowered  }
0x9c: {  	s22 =	simm.s32 $0x1BFF;
	s21 =	sshll.u32 s7, $0x1;
	s4 =	sadd.s32 s5, s19  }
0x9d: {  	s8 =	simm.s32 $0x0;
	s20 =	sshll.u32 s6, $0x1;
	s6 =	sadd.s32 s21, s4  }
0x9e: {  	[timem:s8], [sflag:s22] =	dma.local [hbm:s6], s20  }
0x9f: {  	_ =	swait.ge [sflag:s22], s20  }
0xa0: {  	s5 =	ssub.s32 $0x0, s20;
	[sflag:s22] =	ssyncset.done $0x0  }
0xa1: {  	[sflag:s22] =	ssyncadd.s32 s5;
	_ =	sdelay $0x1  }
0xa2: {  	s23 =	simm.s32 $0x1B8B  }
0xa3: {  	_ =	swait.ge [sflag:s23], $0x1  }
0xa4: {  	[sflag:s23] =	ssyncset.done $0x0  }
0xa5: {  	s25 =	simm.s32 $0x1B8E;
	s24 =	sld [smem:$0x3FFE];
	[sflag:s23] =	ssyncadd.s32 $0xFFFFFFFF  }
0xa6: {  	s26 =	simm.s32 $execute0_lowered;
	[smem:$0x3FD2] =	sst s25  }
0xa7: {  	s6 =	sshll.u32 s26, $0x1;
	_ =	strace $0x80000046;
	[dreg:$0x1] =	wrdreg $0xFFFFFFFF  }
0xa8: {  	s28 =	simm.s32 $_size_execute0_lowered;
	s4 =	sadd.s32 s4, s6;
	[dreg:$0x0] =	wrdreg $0x0  }
0xa9: {  	s6 =	sshll.u32 s28, $0x1;
	[dreg:$0x2] =	wrdreg s4  }
0xaa: {  	[dreg:$0x3] =	wrdreg s6  }
0xab: {  	[dreg:$0x4] =	wrdreg $0xC0  }
0xac: {  	_ =	task [dreg:s8], $0x5FFFF  }
0xad: {  	[dreg:$0x1] =	wrdreg $0xFFFFFFFF  }
0xae: {  	[dreg:$0x0] =	wrdreg $0x60  }
0xaf: {  	[dreg:$0x2] =	wrdreg s2  }
0xb0: {  	[dreg:$0x3] =	wrdreg s24  }
0xb1: {  	[dreg:$0x4] =	wrdreg s18  }
0xb2: {  	[dreg:$0x5] =	wrdreg $0x9  }
0xb3: {  	_ =	task.clear_ibuf [dreg:s8], $0x6FFFF;
	_ =	strace $0x90000046  }
0xb4: {  	s29 =	simm.s32 $0x9;
	_ =	strace $0x80000048  }
0xb5: {  	_ =	swait.ge [sflag:s29], $0x1  }
0xb6: {  	[sflag:s29] =	ssyncadd.s32 $0xFFFFFFFF  }
0xb7: {  	_ =	strace $0x90000048  }
0xb8: {  	_ =	sfence  }
0xb9: {  	s30 =	sld [smem:$0x0];
	_ =	sdelay $0x2  }
0xba: {  	s31 =	sshll.u32 s1, $0xD;
	s1 =	sshrl.u32 s1, $0x2  }
0xbb: {  	s3 =	sand.u32 $0x4000, s31;
	s1 =	sadd.s32 s1, s30  }
0xbc: {  	s0 =	sor.u32 s3, s0;
	s1 =	sshll.u32 s1, $0x11  }
0xbd: {  	s0 =	sor.u32 s1, s0  }
0xbe: {  	s0 =	sadd.s32 $0x8F2B, s0  }
0xbf: {  	[sflag:s0] =	ssyncadd.remote.s32 $0x1  }
0xc0: {  	_ =	sfence.sel $0xFFFF  }
0xc1: {  	[dreg:$0x0] =	wrdreg $0xFFFFFFFF;
	(pc) =	sbr.abs _section_cstart, $3  }
0xc2: {  	[dreg:$0x1] =	wrdreg $0xFFFFFFFF  }
0xc3: {  	_ =	task.clear_ibuf [dreg:s8], $0x2FFFF;
	_ =	strace $0x9FFFFFFF  }
0xc4: {  	(tm) =	ssettm $0x7FFFFFFF  }
0xc5: {  	_ =	shalt  }
tec
execute0_lowered:
.L_overlay_start_1:
0x0: {  	(tag) =	ssettag $0x1  }
0x1: {  	s1 =	rddreg [dreg:$0x0]  }
0x2: {  	s0 =	srdreg.scid;
	s4 =	rddreg [dreg:$0x1]  }
0x3: {  	s8 =	stileid.u32;
	s5 =	rddreg [dreg:$0x2];
	s3 =	simm.s32 $0x0  }
0x4: {  	s15 =	simm.s32 $0x3;
	s16 =	simm.s32 $0x68;
	s17 =	simm.s32 $0xD00  }
0x5: {  	s18 =	simm.s32 $0x4100;
	s20 =	simm.s32 $0x7500;
	s22 =	simm.s32 $0xA900  }
0x6: {  	s28 =	simm.s32 $0x11100;
	s0 =	sand.u32 $0x1, s0;
	s2 =	sshll.u32 s8, $0x1  }
0x7: {  	s30 =	simm.s32 $0x14500;
	s25 =	smul.u32 $0x1A000, s8;
	s2 =	sor.u32 s0, s2  }
0x8: {  	s19 =	simm.s32 $0x0;
	[smem:$0x7FF] =	sst s3;
	s6 =	smul.u32 $0xD00, s2  }
0x9: {  	s7 =	ssub.s32 $0x2, s0;
	_ =	strace $0x80000047;
	s0 =	smul.u32 $0xD000, s0  }
0xa: {  	s23 =	sshrl.u32 s7, $0x1;
	s2 =	smul.u32 $0xD000, s2;
	s6 =	sshrl.u32 s6, $0x3  }
0xb: {  	s4 =	sadd.s32 s6, s4;
	s6 =	ssub.s32 s7, s23;
	s23 =	simm.s32 $0x1  }
0xc: {  	s4 =	sadd.s32 $0x400, s4;
	s24 =	smax.u32 s6, $0x1;
	s6 =	sadd.s32 s5, s2  }
0xd: {  	s2 =	sadd.s32 s25, s5;
	s25 =	simm.s32 $0xDD00;
	[dreg:$0x4] =	wrdreg s4  }
0xe: {  	[dreg:$0x5] =	wrdreg s24;
	s26 =	sadd.s32 $0x680, s6;
	s29 =	sadd.s32 $0xD00, s6  }
0xf: {  	s31 =	sadd.s32 $0x1380, s6;
	s10 =	sadd.s32 $0xB600, s6;
	s11 =	sadd.s32 $0xBC80, s6  }
0x10: {  	s12 =	sadd.s32 $0xC300, s6;
	s0 =	sadd.s32 s0, s2;
	[dreg:$0x6] =	wrdreg s26  }
0x11: {  	s13 =	sadd.s32 $0xC980, s6;
	s2 =	simm.s32 $0x17900;
	[dreg:$0x7] =	wrdreg s29  }
0x12: {  	[dreg:$0x8] =	wrdreg s31;
	s14 =	sadd.s32 $0x1A00, s0;
	s0 =	simm.s32 $0x2  }
.LBB2_1:
0x13: {  	s4 =	rddreg [dreg:$0x4]  }
0x14: {  	[tilespmem:s3], [sflag:$0x3] =	stream.linear.gather [hbm4b:s4+s3], $0xD00, $0x38;
	[tilespmem:$0x1AD00] =	vst v63  }
0x15: {  	_ =	swait.ge [sflag:s15], $0xD00  }
0x16: {  	[sflag:s15] =	ssyncset.done $0x0  }
0x17: {  	[sflag:s15] =	ssyncadd.s32 $0xFFFFF300  }
0x18: {  	[tilespmem:s17], [sflag:$0x1] =	stream.indirect.gather [hbm4b:s1+s16], $0x80, s3, s16, $0xb8;
	[tilespmem:$0x1AD00] =	vst v63  }
0x19: {  	_ = 	snop  }
0x1a: {  	[tilespmem:s18], [sflag:$0x1] =	stream.indirect.gather [hbm4b:s1+s16], $0x80, s16, s16, $0xb8;
	[tilespmem:$0x1AD00] =	vst v63  }
0x1b: {  	s21 =	simm.s32 $0xD0  }
0x1c: {  	[tilespmem:s20], [sflag:$0x1] =	stream.indirect.gather [hbm4b:s1+s16], $0x80, s21, s16, $0xb8;
	[tilespmem:$0x1AD00] =	vst v63  }
0x1d: {  	s24 =	simm.s32 $0x138  }
0x1e: {  	[tilespmem:s22], [sflag:$0x1] =	stream.indirect.gather [hbm4b:s1+s16], $0x80, s24, s16, $0xb8;
	[tilespmem:$0x1AD00] =	vst v63  }
0x1f: {  	_ =	swait.ge [sflag:s23], $0x3400  }
0x20: {  	[sflag:s23] =	ssyncset.done $0x0  }
0x21: {  	[sflag:s23] =	ssyncadd.s32 $0xFFFFCC00  }
0x22: {  	[hbm4b:s6+s3] =	stream.linear.scatter [tilespmem:s17], [sflag:$0x2], $0x3400, $0x38;
	[tilespmem:$0x1AD00] =	vst v63  }
0x23: {  	s26 =	simm.s32 $0x1A0  }
0x24: {  	[tilespmem:s25], [sflag:$0x1] =	stream.indirect.gather [hbm4b:s1+s16], $0x80, s26, s16, $0xb8;
	[tilespmem:$0x1AD00] =	vst v63  }
0x25: {  	_ =	swait.ge [sflag:s23], $0x3400  }
0x26: {  	[sflag:s23] =	ssyncset.done $0x0  }
0x27: {  	s5 =	rddreg [dreg:$0x6];
	[sflag:s23] =	ssyncadd.s32 $0xFFFFCC00  }
0x28: {  	[hbm4b:s5+s3] =	stream.linear.scatter [tilespmem:s18], [sflag:$0x2], $0x3400, $0x38;
	[tilespmem:$0x1AD00] =	vst v63  }
0x29: {  	s7 =	simm.s32 $0x208  }
0x2a: {  	[tilespmem:s28], [sflag:$0x1] =	stream.indirect.gather [hbm4b:s1+s16], $0x80, s7, s16, $0xb8;
	[tilespmem:$0x1AD00] =	vst v63  }
0x2b: {  	_ =	swait.ge [sflag:s23], $0x3400  }
0x2c: {  	[sflag:s23] =	ssyncset.done $0x0  }
0x2d: {  	s8 =	rddreg [dreg:$0x7];
	[sflag:s23] =	ssyncadd.s32 $0xFFFFCC00  }
0x2e: {  	[hbm4b:s8+s3] =	stream.linear.scatter [tilespmem:s20], [sflag:$0x2], $0x3400, $0x38;
	[tilespmem:$0x1AD00] =	vst v63  }
0x2f: {  	s9 =	simm.s32 $0x270  }
0x30: {  	[tilespmem:s30], [sflag:$0x1] =	stream.indirect.gather [hbm4b:s1+s16], $0x80, s9, s16, $0xb8;
	[tilespmem:$0x1AD00] =	vst v63  }
0x31: {  	_ =	swait.ge [sflag:s23], $0x3400  }
0x32: {  	s26 =	simm.s32 $0x4;
	[sflag:s23] =	ssyncset.done $0x0  }
0x33: {  	s4 =	sand.u32 $0x7, s26;
	s21 =	rddreg [dreg:$0x8];
	[sflag:s23] =	ssyncadd.s32 $0xFFFFCC00  }
0x34: {  	[hbm4b:s21+s3] =	stream.linear.scatter [tilespmem:s22], [sflag:$0x2], $0x3400, $0x38;
	[tilespmem:$0x1AD00] =	vst v63  }
0x35: {  	s31 =	simm.s32 $0xA;
	s24 =	simm.s32 $0x2D8;
	s4 =	smul.u32 $0xD000, s4  }
0x36: {  	[tilespmem:s2], [sflag:$0x1] =	stream.indirect.gather [hbm4b:s1+s16], $0x80, s24, s16, $0xb8;
	[tilespmem:$0x1AD00] =	vst v63  }
0x37: {  	s29 =	sadd.s32 $0x680, s14;
	s26 =	simm.s32 $0x3A8;
	_ =	swait.ge [sflag:s23], $0x3400  }
0x38: {  	s5 =	simm.s32 $0x8;
	s4 =	sshrl.u32 s4, $0x2;
	[sflag:s23] =	ssyncset.done $0x0  }
0x39: {  	s4 =	sadd.s32 $0xD00, s4;
	s5 =	sand.u32 $0x7, s5;
	[sflag:s23] =	ssyncadd.s32 $0xFFFFCC00  }
0x3a: {  	[hbm4b:s14+s3] =	stream.linear.scatter [tilespmem:s4], [sflag:$0x2], $0x3400, $0x38;
	[tilespmem:$0x1AD00] =	vst v63  }
0x3b: {  	s21 =	simm.s32 $0x9;
	s24 =	simm.s32 $0x340;
	_ =	swait.ge [sflag:s0], $0x3400  }
0x3c: {  	s4 =	smul.u32 $0xD000, s5;
	s5 =	simm.s32 $0x5;
	[sflag:s0] =	ssyncset.done $0x0  }
.LBB2_2:
0x3d: {  	s5 =	sand.u32 $0x7, s5  }
0x3e: {  	s4 =	sshrl.u32 s4, $0x2;
	s7 =	smov.u32 s31;
	s8 =	sadd.s32 $0x1, s31  }
0x3f: {  	s9 =	smov.u32 s24;
	s24 =	smov.u32 s26;
	p0 =	sne.s32 s31, $0x1F  }
0x40: {  	s5 =	smul.u32 $0xD000, s5;
	[sflag:s0] =	ssyncadd.s32 $0xFFFFCC00;
	s4 =	sadd.s32 $0xD00, s4  }
0x41: {  	[tilespmem:s4], [sflag:$0x1] =	stream.indirect.gather [hbm4b:s1+s16], $0x80, s9, s16, $0xb8;
	[tilespmem:$0x1AD00] =	vst v63  }
0x42: {  	s26 =	sadd.s32 $0x68, s26;
	_ =	swait.ge [sflag:s23], $0x3400;
	s4 =	sshrl.u32 s5, $0x2  }
.Ltmp0:
0x43: {  	[sflag:s23] =	ssyncset.done $0x0;
	s4 =	sadd.s32 $0xD00, s4;
	(pc) =	sbr.rel @p0 .LBB2_2-.Ltmp0, $4  }
0x44: {  	s5 =	sand.u32 $0x7, s21;
	s21 =	smov.u32 s7;
	[sflag:s23] =	ssyncadd.s32 $0xFFFFCC00  }
0x45: {  	[hbm4b:s29+s3] =	stream.linear.scatter [tilespmem:s4], [sflag:$0x2], $0x3400, $0x38;
	[tilespmem:$0x1AD00] =	vst v63  }
0x46: {  	s4 =	smul.u32 $0xD000, s5;
	s29 =	sadd.s32 $0x680, s29;
	_ =	swait.ge [sflag:s0], $0x3400  }
0x47: {  	s31 =	smov.u32 s8;
	s5 =	sadd.s32 $0xFFFFFFFC, s21;
	[sflag:s0] =	ssyncset.done $0x0  }
0x48: {  	s5 =	sand.u32 $0x7, s5;
	s4 =	sshrl.u32 s4, $0x2  }
0x49: {  	[sflag:s0] =	ssyncadd.s32 $0xFFFFCC00;
	s5 =	smul.u32 $0xD000, s5;
	s4 =	sadd.s32 $0xD00, s4  }
0x4a: {  	[tilespmem:s4], [sflag:$0x1] =	stream.indirect.gather [hbm4b:s1+s16], $0x80, s24, s16, $0xb8;
	[tilespmem:$0x1AD00] =	vst v63  }
0x4b: {  	_ =	swait.ge [sflag:s23], $0x3400  }
0x4c: {  	s9 =	sshrl.u32 s5, $0x2;
	[sflag:s23] =	ssyncset.done $0x0  }
0x4d: {  	s24 =	sand.u32 $0x7, s21;
	s4 =	sadd.s32 $0xD00, s9;
	[sflag:s23] =	ssyncadd.s32 $0xFFFFCC00  }
0x4e: {  	[hbm4b:s29+s3] =	stream.linear.scatter [tilespmem:s4], [sflag:$0x2], $0x3400, $0x38;
	[tilespmem:$0x1AD00] =	vst v63  }
0x4f: {  	s29 =	smul.u32 $0xD000, s24  }
0x50: {  	_ =	swait.ge [sflag:s0], $0x3400  }
0x51: {  	[sflag:s0] =	ssyncset.done $0x0;
	s4 =	sshrl.u32 s29, $0x2  }
0x52: {  	[sflag:s0] =	ssyncadd.s32 $0xFFFFCC00;
	s4 =	sadd.s32 $0xD00, s4  }
0x53: {  	[tilespmem:s4], [sflag:$0x1] =	stream.indirect.gather [hbm4b:s1+s16], $0x80, s26, s16, $0xb8;
	[tilespmem:$0x1AD00] =	vst v63  }
0x54: {  	_ =	swait.ge [sflag:s23], $0x3400  }
0x55: {  	[sflag:s23] =	ssyncset.done $0x0  }
0x56: {  	[sflag:s23] =	ssyncadd.s32 $0xFFFFCC00  }
0x57: {  	[hbm4b:s10+s3] =	stream.linear.scatter [tilespmem:s25], [sflag:$0x2], $0x3400, $0x38;
	[tilespmem:$0x1AD00] =	vst v63  }
0x58: {  	_ =	swait.ge [sflag:s23], $0x3400  }
0x59: {  	[sflag:s23] =	ssyncset.done $0x0  }
0x5a: {  	[sflag:s23] =	ssyncadd.s32 $0xFFFFCC00  }
0x5b: {  	[hbm4b:s11+s3] =	stream.linear.scatter [tilespmem:s28], [sflag:$0x2], $0x3400, $0x38;
	[tilespmem:$0x1AD00] =	vst v63  }
0x5c: {  	_ =	swait.ge [sflag:s23], $0x3400  }
0x5d: {  	[sflag:s23] =	ssyncset.done $0x0  }
0x5e: {  	[sflag:s23] =	ssyncadd.s32 $0xFFFFCC00  }
0x5f: {  	[hbm4b:s12+s3] =	stream.linear.scatter [tilespmem:s30], [sflag:$0x2], $0x3400, $0x38;
	[tilespmem:$0x1AD00] =	vst v63  }
0x60: {  	_ =	swait.ge [sflag:s23], $0x3400  }
0x61: {  	[sflag:s23] =	ssyncset.done $0x0  }
0x62: {  	[sflag:s23] =	ssyncadd.s32 $0xFFFFCC00  }
0x63: {  	[hbm4b:s13+s3] =	stream.linear.scatter [tilespmem:s2], [sflag:$0x2], $0x3400, $0x38;
	[tilespmem:$0x1AD00] =	vst v63  }
0x64: {  	_ =	swait.ge [sflag:s0], $0x3400  }
0x65: {  	[sflag:s0] =	ssyncset.done $0x0  }
0x66: {  	[sflag:s0] =	ssyncadd.s32 $0xFFFFCC00  }
0x67: {  	_ =	swait.ge [sflag:s0], $0x3400  }
0x68: {  	[sflag:s0] =	ssyncset.done $0x0  }
0x69: {  	[sflag:s0] =	ssyncadd.s32 $0xFFFFCC00  }
0x6a: {  	_ =	swait.ge [sflag:s0], $0x3400  }
0x6b: {  	[sflag:s0] =	ssyncset.done $0x0  }
0x6c: {  	[sflag:s0] =	ssyncadd.s32 $0xFFFFCC00  }
0x6d: {  	_ =	swait.ge [sflag:s0], $0x3400  }
0x6e: {  	[sflag:s0] =	ssyncset.done $0x0  }
0x6f: {  	[sflag:s0] =	ssyncadd.s32 $0xFFFFCC00  }
0x70: {  	_ =	swait.ge [sflag:s0], $0x3400  }
0x71: {  	[sflag:s0] =	ssyncset.done $0x0  }
0x72: {  	[sflag:s0] =	ssyncadd.s32 $0xFFFFCC00  }
0x73: {  	_ =	swait.ge [sflag:s0], $0x3400  }
0x74: {  	[sflag:s0] =	ssyncset.done $0x0  }
0x75: {  	[sflag:s0] =	ssyncadd.s32 $0xFFFFCC00  }
0x76: {  	_ =	swait.ge [sflag:s0], $0x3400  }
0x77: {  	[sflag:s0] =	ssyncset.done $0x0  }
0x78: {  	[sflag:s0] =	ssyncadd.s32 $0xFFFFCC00  }
0x79: {  	_ =	swait.ge [sflag:s0], $0x3400  }
0x7a: {  	s19 =	sadd.s32 $0x1, s19;
	s31 =	rddreg [dreg:$0x5]  }
0x7b: {  	p0 =	sne.s32 s19, s31  }
.Ltmp1:
0x7c: {  	_ = 	snop;
	(pc) =	sbr.rel @p0 .LBB2_1-.Ltmp1, $3  }
0x7d: {  	_ =	sdelay $0x1  }
0x7e: {  	[sflag:s0] =	ssyncset.done $0x0  }
0x7f: {  	[sflag:s0] =	ssyncadd.s32 $0xFFFFCC00  }
0x80: {  	_ =	sfence.sel $0x180000  }
0x81: {  	[bflag:$0x0] =	sbarrier.arrive $0xFFFF  }
0x82: {  	_ =	strace $0x90000047  }
0x83: {  	s0 =	stileid.u32;
	[bflag:$0x2] =	sbarrier.arrive $0xFFFF  }
0x84: {  	p0 =	sne.s32 s0, $0x0;
	s0 =	rddreg [dreg:$0x3]  }
0x85: {  	s0 =	sadd.s32 @!p0 $0x100000, s0  }
0x86: {  	[sflag:s0] =	ssyncadd.tile.s32 @!p0 $0x1;
	_ =	shalt  }
.Lfunc_end2:
_tile_overlayer_lowered:
.L_overlay_start_2:
0x87: {  	(tag) =	ssettag $0x2  }
0x88: {  	s0 =	rddreg [dreg:$0x0];
	s2 =	stileid.u32  }
0x89: {  	s1 =	rddreg [dreg:$0x1];
	p0 =	sne.s32 s2, $0x0  }
0x8a: {  	s3 =	rddreg [dreg:$0x2];
	[bflag:$0x3] =	sbarrier.arrive $0xFFFF;
	s2 =	simm.s32 @!p0 $0x1C03  }
0x8b: {  	[timem:s3], [sflag:s2] =	dma.local @!p0 [hbm:s0], s1  }
0x8c: {  	s0 =	simm.s32 @!p0 $0x3  }
0x8d: {  	_ =	swait.ge @!p0 [sflag:s0], s1  }
0x8e: {  	s1 =	ssub.s32 @!p0 $0x0, s1;
	[sflag:s0] =	ssyncset.done @!p0 $0x0  }
0x8f: {  	[sflag:s0] =	ssyncadd.s32 @!p0 s1  }
0x90: {  	[bflag:$0x3] =	sbarrier.arrive $0xFFFF  }
0x91: {  	_ =	shalt  }

</sc_bundles>
